<compile_context>
chip_gen: v7x
topology: tpu7x:2x2x1
jax: 0.10.2.dev20260603
libtpu: 0.0.44.dev20260713+nightly
codegen_flags: <defaults>
</compile_context>

<pallas_src>
import functools

import jax
import jax.numpy as jnp
from jax import lax
from jax.experimental import pallas as pl
from jax.experimental.pallas import tpu as pltpu
from jax.experimental.pallas import tpu_sc as plsc

LEN_USERS = 100000
EMBED_DIM = 128
BATCH = 16384

NUM_CORES = 2
NUM_SUBCORES = 16
LANES = 16
NUM_WORKERS = NUM_CORES * NUM_SUBCORES
BPW = BATCH // NUM_WORKERS
IDX_CHUNK = 128
NCHUNK = BPW // IDX_CHUNK
NGROUP = BPW // LANES
CVEC = EMBED_DIM // LANES


def _sc_kernel_body(uid_hbm, mov_hbm, table_hbm, w_hbm, b_hbm, out_hbm,
                    idx_v, rows_v, mov_v, acc_v, wb_v,
                    sem_i, sem_m, sem_w, sem_g):
    wid = lax.axis_index("s") * NUM_CORES + lax.axis_index("c")
    base = wid * BPW

    cp_i = pltpu.async_copy(uid_hbm.at[pl.ds(base, BPW)], idx_v, sem_i)
    cp_m = pltpu.async_copy(mov_hbm.at[pl.ds(base, BPW)], mov_v, sem_m)
    cp_w = pltpu.async_copy(w_hbm, wb_v.at[pl.ds(0, 1)], sem_w)
    cp_b = pltpu.async_copy(b_hbm, wb_v.at[pl.ds(8, 1)], sem_w)
    cp_i.wait()

    copies = [
        pltpu.async_copy(table_hbm.at[idx_v.at[pl.ds(j * IDX_CHUNK, IDX_CHUNK)]],
                         rows_v.at[pl.ds(j * IDX_CHUNK, IDX_CHUNK)], sem_g)
        for j in range(NCHUNK)
    ]

    cp_m.wait()
    cp_w.wait()
    cp_b.wait()
    lane = lax.iota(jnp.int32, LANES)
    zeros = jnp.zeros((LANES,), jnp.int32)
    wb_vec = wb_v[...]
    w_splat = wb_vec.at[zeros].get(mode="promise_in_bounds")
    b_splat = wb_vec.at[zeros + 8].get(mode="promise_in_bounds")

    one = jnp.ones((LANES,), jnp.float32)

    mask15 = lane == (LANES - 1)

    for cp in copies:
        cp.wait()

    @plsc.parallel_loop(0, BPW)
    def sum_body(r):
        v = [rows_v[r, pl.ds(c * LANES, LANES)] for c in range(CVEC)]
        acc = ((v[0] + v[1]) + (v[2] + v[3])) + \
              ((v[4] + v[5]) + (v[6] + v[7]))
        s = plsc.cumsum(acc)
        plsc.store_scatter(idx_v, [zeros + r],
                           plsc.bitcast(s, jnp.int32), mask=mask15)

    @plsc.parallel_loop(0, NGROUP)
    def epi_body(g):
        row0 = g * LANES
        res = plsc.bitcast(idx_v[pl.ds(row0, LANES)], jnp.float32)
        z = res * mov_v[pl.ds(row0, LANES)] * w_splat + b_splat
        acc_v[pl.ds(row0, LANES)] = one / (one + jnp.exp(-z))

    pltpu.sync_copy(acc_v, out_hbm.at[pl.ds(base, BPW)])


@jax.jit
def kernel(x, u_table, W, b):
    uid = x[:, 0]
    mov = x[:, 1].astype(jnp.float32)

    mesh = plsc.VectorSubcoreMesh(core_axis_name="c", subcore_axis_name="s",
                                  num_cores=NUM_CORES,
                                  num_subcores=NUM_SUBCORES)
    run = functools.partial(
        pl.kernel,
        out_type=jax.ShapeDtypeStruct((BATCH,), jnp.float32),
        mesh=mesh,
        compiler_params=pltpu.CompilerParams(needs_layout_passes=False),
        scratch_types=[
            pltpu.VMEM((BPW,), jnp.int32),
            pltpu.VMEM((BPW, EMBED_DIM), jnp.float32),
            pltpu.VMEM((BPW,), jnp.float32),
            pltpu.VMEM((BPW,), jnp.float32),
            pltpu.VMEM((LANES,), jnp.float32),
        ] + [pltpu.SemaphoreType.DMA] * 4,
    )(_sc_kernel_body)
    out = run(uid, mov, u_table, W.reshape(1), b)
    return out.reshape(BATCH, 1)

# --- scband reference (transcript-rebuilt; emitter-appended) ---
"""Pipeline reference for scband-movie-user-embedding-30923764531923 (READ-ONLY COPY).

The authoritative reference and input builder live on the scoring server;
editing this copy changes nothing except your own understanding.
"""

import jax, jax.numpy as jnp
import numpy as np

LEN_USERS = 100000
EMBED_DIM = 128
BATCH = 16384

def setup_inputs(seed: int = 0) -> dict:
    key = jax.random.key(seed)
    k_x, k_tab, k_w, k_b = jax.random.split(key, 4)
    # x[:, 0] = user_ids (must be < LEN_USERS), x[:, 1] = movie_ids (used as scalar multipliers)
    x = jax.random.randint(k_x, (BATCH, 2), 0, LEN_USERS, dtype=jnp.int32)
    # nn.Embedding default init: N(0, 1)
    u_table = jax.random.normal(k_tab, (LEN_USERS, EMBED_DIM), dtype=jnp.float32)
    # m_u_merge linear: note original torch code declares Linear(embedding_size, 1) but the
    # input to it is [B, 1] after sum(dim=1, keepdim=True); executable in_features is 1.
    lim = 1.0 / np.sqrt(1.0)
    W = jax.random.uniform(k_w, (1, 1), minval=-lim, maxval=lim, dtype=jnp.float32)
    b = jax.random.uniform(k_b, (1,), minval=-lim, maxval=lim, dtype=jnp.float32)
    return {"x": x, "u_table": u_table, "W": W, "b": b}

def reference(x, u_table, W, b):
    user_ids = x[:, 0]
    movie_ids = x[:, 1]
    # embedding gather
    uemb = jnp.take(u_table, user_ids, axis=0)              # [B, E]
    # elementwise scale by movie id, then sum over embedding dim
    m_u = jnp.sum(uemb * movie_ids[:, None].astype(uemb.dtype), axis=1, keepdims=True)  # [B, 1]
    # merge linear + sigmoid
    out = m_u @ W.T + b                                      # [B, 1]
    return jax.nn.sigmoid(out)

if __name__ == "__main__":
    import jax
    _d = setup_inputs()
    print(jax.jit(kernel)(*tuple(_d.values())))

</pallas_src>

<mosaic_0001>
#map = affine_map<(d0, d1) -> (0)>
#map1 = affine_map<(d0, d1) -> (0, 0)>
module attributes {stable_mosaic.version = 14 : i64} {
  func.func @_sc_kernel_body(%arg0: i32, %arg1: i32, %arg2: memref<16384xi32, #tpu.memory_space<hbm>>, %arg3: memref<16384xf32, #tpu.memory_space<hbm>>, %arg4: memref<100000x128xf32, #tpu.memory_space<hbm>>, %arg5: memref<1xf32, #tpu.memory_space<hbm>>, %arg6: memref<1xf32, #tpu.memory_space<hbm>>, %arg7: memref<16384xf32, #tpu.memory_space<hbm>>, %arg8: memref<512xi32, #tpu.memory_space<vmem>>, %arg9: memref<512x128xf32, #tpu.memory_space<vmem>>, %arg10: memref<512xf32, #tpu.memory_space<vmem>>, %arg11: memref<512xf32, #tpu.memory_space<vmem>>, %arg12: memref<16xf32, #tpu.memory_space<vmem>>, %arg13: memref<!tpu.dma_semaphore, #tpu.memory_space<semaphore_mem>>, %arg14: memref<!tpu.dma_semaphore, #tpu.memory_space<semaphore_mem>>, %arg15: memref<!tpu.dma_semaphore, #tpu.memory_space<semaphore_mem>>, %arg16: memref<!tpu.dma_semaphore, #tpu.memory_space<semaphore_mem>>) attributes {dimension_semantics = [#tpu.dimension_semantics<core_parallel>, #tpu.dimension_semantics<subcore_parallel>], iteration_bounds = array<i64: 2, 16>, scalar_prefetch = 0 : i64, scratch_operands = 9 : i64, tpu.core_type = #tpu.core_type<sc_vector_subcore>, window_params = [{transform_indices = #map}, {transform_indices = #map}, {transform_indices = #map1}, {transform_indices = #map}, {transform_indices = #map}, {transform_indices = #map}]} {
    %mul3A = arith.constant 2 : i32
    %mul3A_0 = arith.muli %arg1, %mul3A : i32
    %add3A = arith.addi %mul3A_0, %arg0 : i32
    %mul3A_1 = arith.constant 512 : i32
    %mul3A_2 = arith.muli %add3A, %mul3A_1 : i32
    %dma_start3A = tpu.memref_slice %arg2[%mul3A_2] : memref<16384xi32, #tpu.memory_space<hbm>> -> memref<512xi32, #tpu.memory_space<hbm>>
    %dma_start3A_3 = tpu.memref_slice %arg2[%mul3A_2] : memref<16384xi32, #tpu.memory_space<hbm>> -> memref<512xi32, #tpu.memory_space<hbm>>
    tpu.enqueue_dma source(%dma_start3A_3 : memref<512xi32, #tpu.memory_space<hbm>>) target(%arg8 : memref<512xi32, #tpu.memory_space<vmem>>) target_semaphore(%arg13 : memref<!tpu.dma_semaphore, #tpu.memory_space<semaphore_mem>>)
    %dma_start3A_4 = tpu.memref_slice %arg3[%mul3A_2] : memref<16384xf32, #tpu.memory_space<hbm>> -> memref<512xf32, #tpu.memory_space<hbm>>
    %dma_start3A_5 = tpu.memref_slice %arg3[%mul3A_2] : memref<16384xf32, #tpu.memory_space<hbm>> -> memref<512xf32, #tpu.memory_space<hbm>>
    tpu.enqueue_dma source(%dma_start3A_5 : memref<512xf32, #tpu.memory_space<hbm>>) target(%arg10 : memref<512xf32, #tpu.memory_space<vmem>>) target_semaphore(%arg14 : memref<!tpu.dma_semaphore, #tpu.memory_space<semaphore_mem>>)
    %dma_start3A_6 = arith.constant 0 : i32
    %dma_start3A_7 = tpu.memref_slice %arg12[%dma_start3A_6] : memref<16xf32, #tpu.memory_space<vmem>> -> memref<1xf32, #tpu.memory_space<vmem>>
    %dma_start3A_8 = arith.constant 0 : i32
    %dma_start3A_9 = tpu.memref_slice %arg12[%dma_start3A_8] : memref<16xf32, #tpu.memory_space<vmem>> -> memref<1xf32, #tpu.memory_space<vmem>>
    tpu.enqueue_dma source(%arg5 : memref<1xf32, #tpu.memory_space<hbm>>) target(%dma_start3A_9 : memref<1xf32, #tpu.memory_space<vmem>>) target_semaphore(%arg15 : memref<!tpu.dma_semaphore, #tpu.memory_space<semaphore_mem>>)
    %dma_start3A_10 = arith.constant 8 : i32
    %dma_start3A_11 = tpu.memref_slice %arg12[%dma_start3A_10] : memref<16xf32, #tpu.memory_space<vmem>> -> memref<1xf32, #tpu.memory_space<vmem>>
    %dma_start3A_12 = arith.constant 8 : i32
    %dma_start3A_13 = tpu.memref_slice %arg12[%dma_start3A_12] : memref<16xf32, #tpu.memory_space<vmem>> -> memref<1xf32, #tpu.memory_space<vmem>>
    tpu.enqueue_dma source(%arg6 : memref<1xf32, #tpu.memory_space<hbm>>) target(%dma_start3A_13 : memref<1xf32, #tpu.memory_space<vmem>>) target_semaphore(%arg15 : memref<!tpu.dma_semaphore, #tpu.memory_space<semaphore_mem>>)
    %dma_wait3A = tpu.memref_slice %arg2[%mul3A_2] : memref<16384xi32, #tpu.memory_space<hbm>> -> memref<512xi32, #tpu.memory_space<hbm>>
    %dma_wait3A_14 = tpu.memref_slice %arg2[%mul3A_2] : memref<16384xi32, #tpu.memory_space<hbm>> -> memref<512xi32, #tpu.memory_space<hbm>>
    tpu.wait_dma2 semaphore(%arg13 : memref<!tpu.dma_semaphore, #tpu.memory_space<semaphore_mem>>) src(%dma_wait3A_14 : memref<512xi32, #tpu.memory_space<hbm>>) dst(%arg8 : memref<512xi32, #tpu.memory_space<vmem>>)
    %dma_start3A_15 = arith.constant 0 : i32
    %dma_start3A_16 = arith.constant 0 : i32
    %dma_start3A_17 = tpu.memref_slice %arg9[%dma_start3A_15, %dma_start3A_16] : memref<512x128xf32, #tpu.memory_space<vmem>> -> memref<128x128xf32, #tpu.memory_space<vmem>>
    %dma_start3A_18 = arith.constant 0 : i32
    %dma_start3A_19 = tpu.memref_slice %arg8[%dma_start3A_18] : memref<512xi32, #tpu.memory_space<vmem>> -> memref<128xi32, #tpu.memory_space<vmem>>
    %dma_start3A_20 = arith.constant 0 : i32
    %dma_start3A_21 = arith.constant 0 : i32
    %dma_start3A_22 = tpu.memref_slice %arg4[%dma_start3A_20, %dma_start3A_21] : memref<100000x128xf32, #tpu.memory_space<hbm>> -> memref<100000x128xf32, #tpu.memory_space<hbm>>
    tpu.enqueue_indirect_dma source(%dma_start3A_22 : memref<100000x128xf32, #tpu.memory_space<hbm>>) target(%dma_start3A_17 : memref<128x128xf32, #tpu.memory_space<vmem>>) offsets(%dma_start3A_19 : memref<128xi32, #tpu.memory_space<vmem>>) semaphore(%arg16 : memref<!tpu.dma_semaphore, #tpu.memory_space<semaphore_mem>>)
    %dma_start3A_23 = arith.constant 128 : i32
    %dma_start3A_24 = arith.constant 0 : i32
    %dma_start3A_25 = tpu.memref_slice %arg9[%dma_start3A_23, %dma_start3A_24] : memref<512x128xf32, #tpu.memory_space<vmem>> -> memref<128x128xf32, #tpu.memory_space<vmem>>
    %dma_start3A_26 = arith.constant 128 : i32
    %dma_start3A_27 = tpu.memref_slice %arg8[%dma_start3A_26] : memref<512xi32, #tpu.memory_space<vmem>> -> memref<128xi32, #tpu.memory_space<vmem>>
    %dma_start3A_28 = arith.constant 0 : i32
    %dma_start3A_29 = arith.constant 0 : i32
    %dma_start3A_30 = tpu.memref_slice %arg4[%dma_start3A_28, %dma_start3A_29] : memref<100000x128xf32, #tpu.memory_space<hbm>> -> memref<100000x128xf32, #tpu.memory_space<hbm>>
    tpu.enqueue_indirect_dma source(%dma_start3A_30 : memref<100000x128xf32, #tpu.memory_space<hbm>>) target(%dma_start3A_25 : memref<128x128xf32, #tpu.memory_space<vmem>>) offsets(%dma_start3A_27 : memref<128xi32, #tpu.memory_space<vmem>>) semaphore(%arg16 : memref<!tpu.dma_semaphore, #tpu.memory_space<semaphore_mem>>)
    %dma_start3A_31 = arith.constant 256 : i32
    %dma_start3A_32 = arith.constant 0 : i32
    %dma_start3A_33 = tpu.memref_slice %arg9[%dma_start3A_31, %dma_start3A_32] : memref<512x128xf32, #tpu.memory_space<vmem>> -> memref<128x128xf32, #tpu.memory_space<vmem>>
    %dma_start3A_34 = arith.constant 256 : i32
    %dma_start3A_35 = tpu.memref_slice %arg8[%dma_start3A_34] : memref<512xi32, #tpu.memory_space<vmem>> -> memref<128xi32, #tpu.memory_space<vmem>>
    %dma_start3A_36 = arith.constant 0 : i32
    %dma_start3A_37 = arith.constant 0 : i32
    %dma_start3A_38 = tpu.memref_slice %arg4[%dma_start3A_36, %dma_start3A_37] : memref<100000x128xf32, #tpu.memory_space<hbm>> -> memref<100000x128xf32, #tpu.memory_space<hbm>>
    tpu.enqueue_indirect_dma source(%dma_start3A_38 : memref<100000x128xf32, #tpu.memory_space<hbm>>) target(%dma_start3A_33 : memref<128x128xf32, #tpu.memory_space<vmem>>) offsets(%dma_start3A_35 : memref<128xi32, #tpu.memory_space<vmem>>) semaphore(%arg16 : memref<!tpu.dma_semaphore, #tpu.memory_space<semaphore_mem>>)
    %dma_start3A_39 = arith.constant 384 : i32
    %dma_start3A_40 = arith.constant 0 : i32
    %dma_start3A_41 = tpu.memref_slice %arg9[%dma_start3A_39, %dma_start3A_40] : memref<512x128xf32, #tpu.memory_space<vmem>> -> memref<128x128xf32, #tpu.memory_space<vmem>>
    %dma_start3A_42 = arith.constant 384 : i32
    %dma_start3A_43 = tpu.memref_slice %arg8[%dma_start3A_42] : memref<512xi32, #tpu.memory_space<vmem>> -> memref<128xi32, #tpu.memory_space<vmem>>
    %dma_start3A_44 = arith.constant 0 : i32
    %dma_start3A_45 = arith.constant 0 : i32
    %dma_start3A_46 = tpu.memref_slice %arg4[%dma_start3A_44, %dma_start3A_45] : memref<100000x128xf32, #tpu.memory_space<hbm>> -> memref<100000x128xf32, #tpu.memory_space<hbm>>
    tpu.enqueue_indirect_dma source(%dma_start3A_46 : memref<100000x128xf32, #tpu.memory_space<hbm>>) target(%dma_start3A_41 : memref<128x128xf32, #tpu.memory_space<vmem>>) offsets(%dma_start3A_43 : memref<128xi32, #tpu.memory_space<vmem>>) semaphore(%arg16 : memref<!tpu.dma_semaphore, #tpu.memory_space<semaphore_mem>>)
    %dma_wait3A_47 = tpu.memref_slice %arg3[%mul3A_2] : memref<16384xf32, #tpu.memory_space<hbm>> -> memref<512xf32, #tpu.memory_space<hbm>>
    %dma_wait3A_48 = tpu.memref_slice %arg3[%mul3A_2] : memref<16384xf32, #tpu.memory_space<hbm>> -> memref<512xf32, #tpu.memory_space<hbm>>
    tpu.wait_dma2 semaphore(%arg14 : memref<!tpu.dma_semaphore, #tpu.memory_space<semaphore_mem>>) src(%dma_wait3A_48 : memref<512xf32, #tpu.memory_space<hbm>>) dst(%arg10 : memref<512xf32, #tpu.memory_space<vmem>>)
    %dma_wait3A_49 = arith.constant 0 : i32
    %dma_wait3A_50 = tpu.memref_slice %arg12[%dma_wait3A_49] : memref<16xf32, #tpu.memory_space<vmem>> -> memref<1xf32, #tpu.memory_space<vmem>>
    %dma_wait3A_51 = arith.constant 0 : i32
    %dma_wait3A_52 = tpu.memref_slice %arg12[%dma_wait3A_51] : memref<16xf32, #tpu.memory_space<vmem>> -> memref<1xf32, #tpu.memory_space<vmem>>
    tpu.wait_dma2 semaphore(%arg15 : memref<!tpu.dma_semaphore, #tpu.memory_space<semaphore_mem>>) src(%arg5 : memref<1xf32, #tpu.memory_space<hbm>>) dst(%dma_wait3A_52 : memref<1xf32, #tpu.memory_space<vmem>>)
    %dma_wait3A_53 = arith.constant 8 : i32
    %dma_wait3A_54 = tpu.memref_slice %arg12[%dma_wait3A_53] : memref<16xf32, #tpu.memory_space<vmem>> -> memref<1xf32, #tpu.memory_space<vmem>>
    %dma_wait3A_55 = arith.constant 8 : i32
    %dma_wait3A_56 = tpu.memref_slice %arg12[%dma_wait3A_55] : memref<16xf32, #tpu.memory_space<vmem>> -> memref<1xf32, #tpu.memory_space<vmem>>
    tpu.wait_dma2 semaphore(%arg15 : memref<!tpu.dma_semaphore, #tpu.memory_space<semaphore_mem>>) src(%arg6 : memref<1xf32, #tpu.memory_space<hbm>>) dst(%dma_wait3A_56 : memref<1xf32, #tpu.memory_space<vmem>>)
    %iota3A = tpu.iota {dimensions = array<i32: 0>} : vector<16xi32>
    %broadcast_in_dim3A = arith.constant 0 : i32
    %broadcast_in_dim3A_57 = vector.broadcast %broadcast_in_dim3A : i32 to vector<16xi32>
    %get3A = arith.constant 0 : index
    %get3A_58 = tpu.vector_load %arg12[%get3A] {strides = array<i32>} : memref<16xf32, #tpu.memory_space<vmem>>, vector<16xf32>,
    %lt3A = arith.constant 0 : i32
    %lt3A_59 = vector.broadcast %lt3A : i32 to vector<16xi32>
    %lt3A_60 = arith.cmpi slt, %broadcast_in_dim3A_57, %lt3A_59 : vector<16xi32>
    %add3A_61 = arith.constant 16 : i32
    %add3A_62 = vector.broadcast %add3A_61 : i32 to vector<16xi32>
    %add3A_63 = arith.addi %broadcast_in_dim3A_57, %add3A_62 : vector<16xi32>
    %select_n3A = arith.select %lt3A_60, %add3A_63, %broadcast_in_dim3A_57 : vector<16xi1>, vector<16xi32>
    %broadcast_in_dim3A_64 = vector.shape_cast %select_n3A : vector<16xi32> to vector<16x1xi32>
    %gather3A = vector.shape_cast %broadcast_in_dim3A_64 : vector<16x1xi32> to vector<16xi32>
    %gather3A_65 = tpu.dynamic_gather %get3A_58[%gather3A] in [0] : vector<16xf32>, vector<16xi32> -> vector<16xf32>
    %add3A_66 = arith.constant 8 : i32
    %add3A_67 = vector.broadcast %add3A_66 : i32 to vector<16xi32>
    %add3A_68 = arith.addi %broadcast_in_dim3A_57, %add3A_67 : vector<16xi32>
    %lt3A_69 = arith.constant 0 : i32
    %lt3A_70 = vector.broadcast %lt3A_69 : i32 to vector<16xi32>
    %lt3A_71 = arith.cmpi slt, %add3A_68, %lt3A_70 : vector<16xi32>
    %add3A_72 = arith.constant 16 : i32
    %add3A_73 = vector.broadcast %add3A_72 : i32 to vector<16xi32>
    %add3A_74 = arith.addi %add3A_68, %add3A_73 : vector<16xi32>
    %select_n3A_75 = arith.select %lt3A_71, %add3A_74, %add3A_68 : vector<16xi1>, vector<16xi32>
    %broadcast_in_dim3A_76 = vector.shape_cast %select_n3A_75 : vector<16xi32> to vector<16x1xi32>
    %gather3A_77 = vector.shape_cast %broadcast_in_dim3A_76 : vector<16x1xi32> to vector<16xi32>
    %gather3A_78 = tpu.dynamic_gather %get3A_58[%gather3A_77] in [0] : vector<16xf32>, vector<16xi32> -> vector<16xf32>
    %broadcast_in_dim3A_79 = arith.constant 1.000000e+00 : f32
    %broadcast_in_dim3A_80 = vector.broadcast %broadcast_in_dim3A_79 : f32 to vector<16xf32>
    %eq3A = arith.constant 15 : i32
    %eq3A_81 = vector.broadcast %eq3A : i32 to vector<16xi32>
    %eq3A_82 = arith.cmpi eq, %iota3A, %eq3A_81 : vector<16xi32>
    %dma_wait3A_83 = arith.constant 0 : i32
    %dma_wait3A_84 = arith.constant 0 : i32
    %dma_wait3A_85 = tpu.memref_slice %arg9[%dma_wait3A_83, %dma_wait3A_84] : memref<512x128xf32, #tpu.memory_space<vmem>> -> memref<128x128xf32, #tpu.memory_space<vmem>>
    %dma_wait3A_86 = arith.constant 0 : i32
    %dma_wait3A_87 = tpu.memref_slice %arg8[%dma_wait3A_86] : memref<512xi32, #tpu.memory_space<vmem>> -> memref<128xi32, #tpu.memory_space<vmem>>
    %dma_wait3A_88 = arith.constant 0 : i32
    %dma_wait3A_89 = arith.constant 0 : i32
    %dma_wait3A_90 = tpu.memref_slice %arg4[%dma_wait3A_88, %dma_wait3A_89] : memref<100000x128xf32, #tpu.memory_space<hbm>> -> memref<100000x128xf32, #tpu.memory_space<hbm>>
    tpu.wait_indirect_dma semaphore(%arg16 : memref<!tpu.dma_semaphore, #tpu.memory_space<semaphore_mem>>) src(%dma_wait3A_90 : memref<100000x128xf32, #tpu.memory_space<hbm>>) dst(%dma_wait3A_85 : memref<128x128xf32, #tpu.memory_space<vmem>>)
    %dma_wait3A_91 = arith.constant 128 : i32
    %dma_wait3A_92 = arith.constant 0 : i32
    %dma_wait3A_93 = tpu.memref_slice %arg9[%dma_wait3A_91, %dma_wait3A_92] : memref<512x128xf32, #tpu.memory_space<vmem>> -> memref<128x128xf32, #tpu.memory_space<vmem>>
    %dma_wait3A_94 = arith.constant 128 : i32
    %dma_wait3A_95 = tpu.memref_slice %arg8[%dma_wait3A_94] : memref<512xi32, #tpu.memory_space<vmem>> -> memref<128xi32, #tpu.memory_space<vmem>>
    %dma_wait3A_96 = arith.constant 0 : i32
    %dma_wait3A_97 = arith.constant 0 : i32
    %dma_wait3A_98 = tpu.memref_slice %arg4[%dma_wait3A_96, %dma_wait3A_97] : memref<100000x128xf32, #tpu.memory_space<hbm>> -> memref<100000x128xf32, #tpu.memory_space<hbm>>
    tpu.wait_indirect_dma semaphore(%arg16 : memref<!tpu.dma_semaphore, #tpu.memory_space<semaphore_mem>>) src(%dma_wait3A_98 : memref<100000x128xf32, #tpu.memory_space<hbm>>) dst(%dma_wait3A_93 : memref<128x128xf32, #tpu.memory_space<vmem>>)
    %dma_wait3A_99 = arith.constant 256 : i32
    %dma_wait3A_100 = arith.constant 0 : i32
    %dma_wait3A_101 = tpu.memref_slice %arg9[%dma_wait3A_99, %dma_wait3A_100] : memref<512x128xf32, #tpu.memory_space<vmem>> -> memref<128x128xf32, #tpu.memory_space<vmem>>
    %dma_wait3A_102 = arith.constant 256 : i32
    %dma_wait3A_103 = tpu.memref_slice %arg8[%dma_wait3A_102] : memref<512xi32, #tpu.memory_space<vmem>> -> memref<128xi32, #tpu.memory_space<vmem>>
    %dma_wait3A_104 = arith.constant 0 : i32
    %dma_wait3A_105 = arith.constant 0 : i32
    %dma_wait3A_106 = tpu.memref_slice %arg4[%dma_wait3A_104, %dma_wait3A_105] : memref<100000x128xf32, #tpu.memory_space<hbm>> -> memref<100000x128xf32, #tpu.memory_space<hbm>>
    tpu.wait_indirect_dma semaphore(%arg16 : memref<!tpu.dma_semaphore, #tpu.memory_space<semaphore_mem>>) src(%dma_wait3A_106 : memref<100000x128xf32, #tpu.memory_space<hbm>>) dst(%dma_wait3A_101 : memref<128x128xf32, #tpu.memory_space<vmem>>)
    %dma_wait3A_107 = arith.constant 384 : i32
    %dma_wait3A_108 = arith.constant 0 : i32
    %dma_wait3A_109 = tpu.memref_slice %arg9[%dma_wait3A_107, %dma_wait3A_108] : memref<512x128xf32, #tpu.memory_space<vmem>> -> memref<128x128xf32, #tpu.memory_space<vmem>>
    %dma_wait3A_110 = arith.constant 384 : i32
    %dma_wait3A_111 = tpu.memref_slice %arg8[%dma_wait3A_110] : memref<512xi32, #tpu.memory_space<vmem>> -> memref<128xi32, #tpu.memory_space<vmem>>
    %dma_wait3A_112 = arith.constant 0 : i32
    %dma_wait3A_113 = arith.constant 0 : i32
    %dma_wait3A_114 = tpu.memref_slice %arg4[%dma_wait3A_112, %dma_wait3A_113] : memref<100000x128xf32, #tpu.memory_space<hbm>> -> memref<100000x128xf32, #tpu.memory_space<hbm>>
    tpu.wait_indirect_dma semaphore(%arg16 : memref<!tpu.dma_semaphore, #tpu.memory_space<semaphore_mem>>) src(%dma_wait3A_114 : memref<100000x128xf32, #tpu.memory_space<hbm>>) dst(%dma_wait3A_109 : memref<128x128xf32, #tpu.memory_space<vmem>>)
    %parallel_loop3A = arith.constant 0 : i32
    %parallel_loop3A_115 = arith.constant 512 : i32
    %parallel_loop3A_116 = arith.constant 1 : i32
    scf.for %parallel_loop3A_120 = %parallel_loop3A to %parallel_loop3A_115 step %parallel_loop3A_116  : i32 {
      %parallel_loop3A_121 = arith.index_cast %parallel_loop3A_120 : i32 to index
      %parallel_loop3A_122 = arith.constant 0 : index
      %parallel_loop3A_123 = tpu.vector_load %arg9[%parallel_loop3A_121, %parallel_loop3A_122] {strides = array<i32>} : memref<512x128xf32, #tpu.memory_space<vmem>>, vector<16xf32>,
      %parallel_loop3A_124 = arith.index_cast %parallel_loop3A_120 : i32 to index
      %parallel_loop3A_125 = arith.constant 16 : index
      %parallel_loop3A_126 = tpu.vector_load %arg9[%parallel_loop3A_124, %parallel_loop3A_125] {strides = array<i32>} : memref<512x128xf32, #tpu.memory_space<vmem>>, vector<16xf32>,
      %parallel_loop3A_127 = arith.index_cast %parallel_loop3A_120 : i32 to index
      %parallel_loop3A_128 = arith.constant 32 : index
      %parallel_loop3A_129 = tpu.vector_load %arg9[%parallel_loop3A_127, %parallel_loop3A_128] {strides = array<i32>} : memref<512x128xf32, #tpu.memory_space<vmem>>, vector<16xf32>,
      %parallel_loop3A_130 = arith.index_cast %parallel_loop3A_120 : i32 to index
      %parallel_loop3A_131 = arith.constant 48 : index
      %parallel_loop3A_132 = tpu.vector_load %arg9[%parallel_loop3A_130, %parallel_loop3A_131] {strides = array<i32>} : memref<512x128xf32, #tpu.memory_space<vmem>>, vector<16xf32>,
      %parallel_loop3A_133 = arith.index_cast %parallel_loop3A_120 : i32 to index
      %parallel_loop3A_134 = arith.constant 64 : index
      %parallel_loop3A_135 = tpu.vector_load %arg9[%parallel_loop3A_133, %parallel_loop3A_134] {strides = array<i32>} : memref<512x128xf32, #tpu.memory_space<vmem>>, vector<16xf32>,
      %parallel_loop3A_136 = arith.index_cast %parallel_loop3A_120 : i32 to index
      %parallel_loop3A_137 = arith.constant 80 : index
      %parallel_loop3A_138 = tpu.vector_load %arg9[%parallel_loop3A_136, %parallel_loop3A_137] {strides = array<i32>} : memref<512x128xf32, #tpu.memory_space<vmem>>, vector<16xf32>,
      %parallel_loop3A_139 = arith.index_cast %parallel_loop3A_120 : i32 to index
      %parallel_loop3A_140 = arith.constant 96 : index
      %parallel_loop3A_141 = tpu.vector_load %arg9[%parallel_loop3A_139, %parallel_loop3A_140] {strides = array<i32>} : memref<512x128xf32, #tpu.memory_space<vmem>>, vector<16xf32>,
      %parallel_loop3A_142 = arith.index_cast %parallel_loop3A_120 : i32 to index
      %parallel_loop3A_143 = arith.constant 112 : index
      %parallel_loop3A_144 = tpu.vector_load %arg9[%parallel_loop3A_142, %parallel_loop3A_143] {strides = array<i32>} : memref<512x128xf32, #tpu.memory_space<vmem>>, vector<16xf32>,
      %parallel_loop3A_145 = arith.addf %parallel_loop3A_123, %parallel_loop3A_126 : vector<16xf32>
      %parallel_loop3A_146 = arith.addf %parallel_loop3A_129, %parallel_loop3A_132 : vector<16xf32>
      %parallel_loop3A_147 = arith.addf %parallel_loop3A_145, %parallel_loop3A_146 : vector<16xf32>
      %parallel_loop3A_148 = arith.addf %parallel_loop3A_135, %parallel_loop3A_138 : vector<16xf32>
      %parallel_loop3A_149 = arith.addf %parallel_loop3A_141, %parallel_loop3A_144 : vector<16xf32>
      %parallel_loop3A_150 = arith.addf %parallel_loop3A_148, %parallel_loop3A_149 : vector<16xf32>
      %parallel_loop3A_151 = arith.addf %parallel_loop3A_147, %parallel_loop3A_150 : vector<16xf32>
      %parallel_loop3A_152 = arith.constant true
      %parallel_loop3A_153 = vector.broadcast %parallel_loop3A_152 : i1 to vector<16xi1>
      %parallel_loop3A_154 = tpu.scan <sum>, %parallel_loop3A_151 masked %parallel_loop3A_153 : vector<16xf32>, vector<16xi1> -> vector<16xf32>
      %parallel_loop3A_155 = vector.broadcast %parallel_loop3A_120 : i32 to vector<16xi32>
      %parallel_loop3A_156 = arith.addi %broadcast_in_dim3A_57, %parallel_loop3A_155 : vector<16xi32>
      %parallel_loop3A_157 = vector.bitcast %parallel_loop3A_154 : vector<16xf32> to vector<16xi32>
      tpu.vector_store_idx %arg8[%parallel_loop3A_156], %parallel_loop3A_157 masked %eq3A_82 : memref<512xi32, #tpu.memory_space<vmem>>[vector<16xi32>], vector<16xi32>, vector<16xi1>
    } {sc.loop_unroll_factor = 1 : i64, sc.parallel_access}
    %parallel_loop3A_117 = arith.constant 0 : i32
    %parallel_loop3A_118 = arith.constant 32 : i32
    %parallel_loop3A_119 = arith.constant 1 : i32
    scf.for %parallel_loop3A_120 = %parallel_loop3A_117 to %parallel_loop3A_118 step %parallel_loop3A_119  : i32 {
      %parallel_loop3A_121 = arith.constant 16 : i32
      %parallel_loop3A_122 = arith.muli %parallel_loop3A_120, %parallel_loop3A_121 : i32
      %parallel_loop3A_123 = arith.index_cast %parallel_loop3A_122 : i32 to index
      %parallel_loop3A_124 = tpu.vector_load %arg8[%parallel_loop3A_123] {strides = array<i32>} : memref<512xi32, #tpu.memory_space<vmem>>, vector<16xi32>,
      %parallel_loop3A_125 = vector.bitcast %parallel_loop3A_124 : vector<16xi32> to vector<16xf32>
      %parallel_loop3A_126 = arith.index_cast %parallel_loop3A_122 : i32 to index
      %parallel_loop3A_127 = tpu.vector_load %arg10[%parallel_loop3A_126] {strides = array<i32>} : memref<512xf32, #tpu.memory_space<vmem>>, vector<16xf32>,
      %parallel_loop3A_128 = arith.mulf %parallel_loop3A_125, %parallel_loop3A_127 : vector<16xf32>
      %parallel_loop3A_129 = arith.mulf %parallel_loop3A_128, %gather3A_65 : vector<16xf32>
      %parallel_loop3A_130 = arith.addf %parallel_loop3A_129, %gather3A_78 : vector<16xf32>
      %parallel_loop3A_131 = arith.constant 0.000000e+00 : f32
      %parallel_loop3A_132 = vector.broadcast %parallel_loop3A_131 : f32 to vector<16xf32>
      %parallel_loop3A_133 = arith.subf %parallel_loop3A_132, %parallel_loop3A_130 : vector<16xf32>
      %parallel_loop3A_134 = math.exp %parallel_loop3A_133 : vector<16xf32>
      %parallel_loop3A_135 = arith.addf %broadcast_in_dim3A_80, %parallel_loop3A_134 : vector<16xf32>
      %parallel_loop3A_136 = arith.divf %broadcast_in_dim3A_80, %parallel_loop3A_135 : vector<16xf32>
      %parallel_loop3A_137 = arith.index_cast %parallel_loop3A_122 : i32 to index
      %parallel_loop3A_138 = tpu.vector_load %arg11[%parallel_loop3A_137] {strides = array<i32>} : memref<512xf32, #tpu.memory_space<vmem>>, vector<16xf32>,
      tpu.vector_store %arg11[%parallel_loop3A_137], %parallel_loop3A_136 {strides = array<i32>} : memref<512xf32, #tpu.memory_space<vmem>>, vector<16xf32>,
    } {sc.loop_unroll_factor = 1 : i64, sc.parallel_access}
    "tpu.region"() ({
      %run_scoped3A = tpu.sem_alloc : memref<!tpu.dma_semaphore, #tpu.memory_space<semaphore_mem>>
      %dma_start3A_120 = tpu.memref_slice %arg7[%mul3A_2] : memref<16384xf32, #tpu.memory_space<hbm>> -> memref<512xf32, #tpu.memory_space<hbm>>
      %dma_start3A_121 = tpu.memref_slice %arg7[%mul3A_2] : memref<16384xf32, #tpu.memory_space<hbm>> -> memref<512xf32, #tpu.memory_space<hbm>>
      tpu.enqueue_dma source(%arg11 : memref<512xf32, #tpu.memory_space<vmem>>) target(%dma_start3A_121 : memref<512xf32, #tpu.memory_space<hbm>>) target_semaphore(%run_scoped3A : memref<!tpu.dma_semaphore, #tpu.memory_space<semaphore_mem>>)
      %dma_wait3A_122 = tpu.memref_slice %arg7[%mul3A_2] : memref<16384xf32, #tpu.memory_space<hbm>> -> memref<512xf32, #tpu.memory_space<hbm>>
      %dma_wait3A_123 = tpu.memref_slice %arg7[%mul3A_2] : memref<16384xf32, #tpu.memory_space<hbm>> -> memref<512xf32, #tpu.memory_space<hbm>>
      tpu.wait_dma2 semaphore(%run_scoped3A : memref<!tpu.dma_semaphore, #tpu.memory_space<semaphore_mem>>) src(%arg11 : memref<512xf32, #tpu.memory_space<vmem>>) dst(%dma_wait3A_123 : memref<512xf32, #tpu.memory_space<hbm>>)
      tpu.yield
    }) : () -> ()
    return
  }
}

</mosaic_0001>

<sc_bundles>
// kernel: kernel.3.cloned.1.call-start
scs
__scs_entry_jumppad:
0x0: {  	(pc) =	sbr.rel $0x88, $3  }
0x1: {  	(tag) =	ssettag $0x0;
	lr =	simm.s32 $0x1  }
0x2: {  	[smem:$0x3F9D] =	sst lr;
	_ =	strace $0xD0000000  }
0x3: {  	_ = 	snop  }
0x4: {  	_ = 	snop  }
0x5: {  	_ = 	snop  }
0x6: {  	_ = 	snop  }
0x7: {  	_ = 	snop  }
__scs_overlays_trampoline_lowered:
0x8: {  	[smem:$0x3FAC] =	sst s0  }
0x9: {  	[smem:$0x3FAD] =	sst s1  }
0xa: {  	[smem:$0x3FAE] =	sst s2  }
0xb: {  	[smem:$0x3FAF] =	sst s3  }
0xc: {  	[smem:$0x3FB0] =	sst s4  }
0xd: {  	[smem:$0x3FB1] =	sst s5  }
0xe: {  	[smem:$0x3FB2] =	sst s6  }
0xf: {  	[smem:$0x3FB3] =	sst s7  }
0x10: {  	[smem:$0x3FB4] =	sst s8  }
0x11: {  	[smem:$0x3FB5] =	sst s9;
	s0 =	simm.s32 @!p0 $0x0  }
0x12: {  	s1 =	sld [smem:$0x3F9B];
	s0 =	simm.s32 @p0 $0x1  }
0x13: {  	[smem:$0x3FB6] =	sst s0;
	s0 =	simm.s32 @!p1 $0x0  }
0x14: {  	s2 =	sld [smem:$0x3F9A];
	s0 =	simm.s32 @p1 $0x1  }
0x15: {  	[smem:$0x3FB7] =	sst s0;
	s0 =	simm.s32 @!p2 $0x0  }
0x16: {  	s3 =	sld [smem:$0x3FDB];
	s0 =	simm.s32 @p2 $0x1  }
0x17: {  	s4 =	simm.s32 $0x1BF5;
	[smem:$0x3FB9] =	sst s0  }
0x18: {  	s0 =	sld [smem:$0x3F9C];
	_ =	swait.ge [sflag:s4], $0x0  }
0x19: {  	s7 =	sld [smem:$0x3F9D]  }
0x1a: {  	s8 =	sadd.s32 $0xFFFFE003, lr  }
0x1b: {  	s9 =	sadd.s32 $0xFFFFFEF7, lr;
	s5 =	simm.s32 $0xFFFFFFFF;
	p2 =	slt.u32 s8, $0xFFFFF086  }
0x1c: {  	p1 =	slt.u32 s9, $0xF7A;
	s5 =	simm.s32 @!p2 $0x0  }
0x1d: {  	s5 =	simm.s32 @p1 $0x1;
	p0 =	seq.s32 s7, s2  }
0x1e: {  	s7 =	smul.u32 @!p0 $0xF7A, s2;
	p2 =	seq.s32 @!p0 s5, $0x0  }
0x1f: {  	s9 =	smul.u32 $0xF7A, s1;
	s8 =	simm.s32 @!p0 $0x1BF5;
	p2 =	por !p2, p0  }
0x20: {  	[sflag:s8] =	ssyncset.s32 @!p0 $0xFFFFF086;
	s6 =	sadd.s32 @!p0 s3, s7;
	s7 =	simm.s32 @!p0 $0x108  }
0x21: {  	s3 =	sadd.s32 s3, s9;
	s6 =	sadd.s32 @!p0 $0x88, s6;
	s7 =	simm.s32 @p2 $0x1082  }
0x22: {  	[simem:s7], [sflag:s8] =	dma.local @!p0 [hbm:s6], $0xF7A  }
0x23: {  	s9 =	sor.u32 $0xD0000000, s2;
	s6 =	simm.s32 $0x108;
	_ =	swait.ge @!p0 [sflag:s8], $0x0  }
0x24: {  	s3 =	sadd.s32 $0x88, s3;
	s6 =	simm.s32 @!p1 $0x1082;
	[sflag:s4] =	ssyncset.s32 $0xFFFFF086  }
0x25: {  	[simem:s6], [sflag:s4] =	dma.local [hbm:s3], $0xF7A  }
0x26: {  	[smem:$0x3F9D] =	sst s1;
	(tag) =	ssettag s2;
	_ =	strace s9  }
0x27: {  	s1 =	sld [smem:$0x3FAD]  }
0x28: {  	s2 =	sld [smem:$0x3FAE]  }
0x29: {  	s4 =	sld [smem:$0x3FB0]  }
0x2a: {  	p0 =	seq.s32 s5, $0x0;
	s5 =	sld [smem:$0x3FB1]  }
0x2b: {  	s6 =	sld [smem:$0x3FB2]  }
0x2c: {  	s7 =	sld [smem:$0x3FB3]  }
0x2d: {  	s3 =	simm.s32 $0x108;
	s8 =	sld [smem:$0x3FB4]  }
0x2e: {  	s3 =	simm.s32 @!p0 $0x1082;
	s9 =	sld [smem:$0x3FB5]  }
0x2f: {  	lr =	sadd.s32 s0, s3;
	s0 =	sld [smem:$0x3FAC]  }
0x30: {  	s3 =	sld [smem:$0x3FAF]  }
0x31: {  	[smem:$0x3FB8] =	sst s10  }
0x32: {  	s10 =	sld [smem:$0x3FB6];
	_ =	sdelay $0x3  }
0x33: {  	p0 =	seq.s32 s10, $0x1;
	s10 =	sld [smem:$0x3FB8];
	_ =	sdelay $0x3  }
0x34: {  	[smem:$0x3FB8] =	sst s10  }
0x35: {  	s10 =	sld [smem:$0x3FB7];
	_ =	sdelay $0x3  }
0x36: {  	p1 =	seq.s32 s10, $0x1;
	s10 =	sld [smem:$0x3FB8];
	_ =	sdelay $0x3  }
0x37: {  	[smem:$0x3FB8] =	sst s10  }
0x38: {  	s10 =	sld [smem:$0x3FB9]  }
0x39: {  	_ = 	snop;
	(pc) =	sbr.ind lr, $3  }
0x3a: {  	_ = 	snop  }
0x3b: {  	_ = 	snop  }
0x3c: {  	p2 =	seq.s32 s10, $0x1;
	s10 =	sld [smem:$0x3FB8]  }
0x3d: {  	_ =	shalt  }
0x3e: {  	_ =	shalt  }
0x3f: {  	_ =	shalt  }
0x40: {  	_ =	shalt  }
0x41: {  	_ =	shalt  }
0x42: {  	_ =	shalt  }
0x43: {  	_ =	shalt  }
0x44: {  	_ =	shalt  }
0x45: {  	_ =	shalt  }
0x46: {  	_ =	shalt  }
0x47: {  	_ =	shalt  }
0x48: {  	_ =	shalt  }
0x49: {  	_ =	shalt  }
0x4a: {  	_ =	shalt  }
0x4b: {  	_ =	shalt  }
0x4c: {  	_ =	shalt  }
0x4d: {  	_ =	shalt  }
0x4e: {  	_ =	shalt  }
0x4f: {  	_ =	shalt  }
0x50: {  	_ =	shalt  }
0x51: {  	_ =	shalt  }
0x52: {  	_ =	shalt  }
0x53: {  	_ =	shalt  }
0x54: {  	_ =	shalt  }
0x55: {  	_ =	shalt  }
0x56: {  	_ =	shalt  }
0x57: {  	_ =	shalt  }
0x58: {  	_ =	shalt  }
0x59: {  	_ =	shalt  }
0x5a: {  	_ =	shalt  }
0x5b: {  	_ =	shalt  }
0x5c: {  	_ =	shalt  }
0x5d: {  	_ =	shalt  }
0x5e: {  	_ =	shalt  }
0x5f: {  	_ =	shalt  }
0x60: {  	_ =	shalt  }
0x61: {  	_ =	shalt  }
0x62: {  	_ =	shalt  }
0x63: {  	_ =	shalt  }
0x64: {  	_ =	shalt  }
0x65: {  	_ =	shalt  }
0x66: {  	_ =	shalt  }
0x67: {  	_ =	shalt  }
0x68: {  	_ =	shalt  }
0x69: {  	_ =	shalt  }
0x6a: {  	_ =	shalt  }
0x6b: {  	_ =	shalt  }
0x6c: {  	_ =	shalt  }
0x6d: {  	_ =	shalt  }
0x6e: {  	_ =	shalt  }
0x6f: {  	_ =	shalt  }
0x70: {  	_ =	shalt  }
0x71: {  	_ =	shalt  }
0x72: {  	_ =	shalt  }
0x73: {  	_ =	shalt  }
0x74: {  	_ =	shalt  }
0x75: {  	_ =	shalt  }
0x76: {  	_ =	shalt  }
0x77: {  	_ =	shalt  }
0x78: {  	_ =	shalt  }
0x79: {  	_ =	shalt  }
0x7a: {  	_ =	shalt  }
0x7b: {  	_ =	shalt  }
0x7c: {  	_ =	shalt  }
0x7d: {  	_ =	shalt  }
0x7e: {  	_ =	shalt  }
0x7f: {  	_ =	shalt  }
0x80: {  	_ =	shalt  }
0x81: {  	_ =	shalt  }
0x82: {  	_ =	shalt  }
0x83: {  	_ =	shalt  }
0x84: {  	_ =	shalt  }
0x85: {  	_ =	shalt  }
0x86: {  	_ =	shalt  }
0x87: {  	_ =	shalt  }
.Lfunc_end0:
.L_simem_size_0:
called_computation_lowered:
.L_overlay_start_0:
0x88: {  	s2 =	sld [smem:$0x3FD9]  }
0x89: {  	s3 =	sld [smem:$0x3FFE];
	_ =	sdelay $0x1  }
0x8a: {  	s1 =	srdreg.scid  }
0x8b: {  	s0 =	sand.u32 $0x1, s1  }
0x8c: {  	s17 =	sshll.u32 s0, $0xA;
	s2 =	sadd.s32 s3, s2  }
0x8d: {  	s2 =	sadd.s32 s2, s17  }
0x8e: {  	[smem:$0x3FC4] =	sst s2  }
0x8f: {  	_ = 	snop  }
0x90: {  	s2 =	sld [smem:$0x3FC8]  }
0x91: {  	s18 =	sld [smem:$0x3FC7]  }
0x92: {  	s4 =	sld [smem:$0x3FC6]  }
0x93: {  	s5 =	sld [smem:$0x3FD0];
	(tm) =	ssettm $0x1  }
0x94: {  	s6 =	sld [smem:$0x3FFB];
	_ =	sdelay $0x3  }
0x95: {  	_ =	strace s6  }
0x96: {  	s6 =	sld [smem:$0x3FFC];
	_ =	sdelay $0x3  }
0x97: {  	_ =	strace s6  }
0x98: {  	s6 =	sld [smem:$0x3FFD];
	_ =	sdelay $0x3  }
0x99: {  	_ =	strace s6  }
0x9a: {  	_ =	strace $0x8FFFFFFF  }
0x9b: {  	s19 =	sld [smem:$0x3FDB];
	_ =	sdelay $0x1  }
0x9c: {  	s7 =	simm.s32 $_scs_section_size  }
0x9d: {  	s8 =	simm.s32 $_size__tile_overlayer_lowered;
	s9 =	simm.s32 $_tile_overlayer_lowered  }
0x9e: {  	s22 =	simm.s32 $0x1BFF;
	s21 =	sshll.u32 s9, $0x1;
	s6 =	sadd.s32 s7, s19  }
0x9f: {  	s10 =	simm.s32 $0x0;
	s20 =	sshll.u32 s8, $0x1;
	s8 =	sadd.s32 s21, s6  }
0xa0: {  	[timem:s10], [sflag:s22] =	dma.local [hbm:s8], s20  }
0xa1: {  	_ =	swait.ge [sflag:s22], s20  }
0xa2: {  	s7 =	ssub.s32 $0x0, s20;
	[sflag:s22] =	ssyncset.done $0x0  }
0xa3: {  	[sflag:s22] =	ssyncadd.s32 s7;
	_ =	sdelay $0x1  }
0xa4: {  	s23 =	simm.s32 $0x1B8B  }
0xa5: {  	_ =	swait.ge [sflag:s23], $0x1  }
0xa6: {  	[sflag:s23] =	ssyncset.done $0x0  }
0xa7: {  	s25 =	simm.s32 $0x1B8E;
	s24 =	sld [smem:$0x3FFE];
	[sflag:s23] =	ssyncadd.s32 $0xFFFFFFFF  }
0xa8: {  	s26 =	simm.s32 $execute0_lowered;
	[smem:$0x3FD2] =	sst s25  }
0xa9: {  	s8 =	sshll.u32 s26, $0x1;
	_ =	strace $0x80000046;
	[dreg:$0x1] =	wrdreg $0xFFFFFFFF  }
0xaa: {  	s28 =	simm.s32 $_size_execute0_lowered;
	s6 =	sadd.s32 s6, s8;
	[dreg:$0x0] =	wrdreg $0x0  }
0xab: {  	s8 =	sshll.u32 s28, $0x1;
	[dreg:$0x2] =	wrdreg s6  }
0xac: {  	[dreg:$0x3] =	wrdreg s8  }
0xad: {  	[dreg:$0x4] =	wrdreg $0xC0  }
0xae: {  	_ =	task [dreg:s10], $0x5FFFF  }
0xaf: {  	[dreg:$0x1] =	wrdreg $0xFFFFFFFF  }
0xb0: {  	[dreg:$0x0] =	wrdreg $0x60  }
0xb1: {  	[dreg:$0x2] =	wrdreg s24  }
0xb2: {  	[dreg:$0x3] =	wrdreg s2  }
0xb3: {  	[dreg:$0x4] =	wrdreg s18  }
0xb4: {  	[dreg:$0x5] =	wrdreg s4  }
0xb5: {  	[dreg:$0x6] =	wrdreg s5  }
0xb6: {  	[dreg:$0x7] =	wrdreg $0x9  }
0xb7: {  	_ =	task.clear_ibuf [dreg:s10], $0x8FFFF;
	_ =	strace $0x90000046  }
0xb8: {  	s29 =	simm.s32 $0x9;
	_ =	strace $0x80000048  }
0xb9: {  	_ =	swait.ge [sflag:s29], $0x1  }
0xba: {  	[sflag:s29] =	ssyncadd.s32 $0xFFFFFFFF  }
0xbb: {  	_ =	strace $0x90000048  }
0xbc: {  	_ =	sfence  }
0xbd: {  	s30 =	sld [smem:$0x0];
	_ =	sdelay $0x2  }
0xbe: {  	s31 =	sshll.u32 s1, $0xD;
	s1 =	sshrl.u32 s1, $0x2  }
0xbf: {  	s3 =	sand.u32 $0x4000, s31;
	s1 =	sadd.s32 s1, s30  }
0xc0: {  	s0 =	sor.u32 s3, s0;
	s1 =	sshll.u32 s1, $0x11  }
0xc1: {  	s0 =	sor.u32 s1, s0  }
0xc2: {  	s0 =	sadd.s32 $0x8F2B, s0  }
0xc3: {  	[sflag:s0] =	ssyncadd.remote.s32 $0x1  }
0xc4: {  	_ =	sfence.sel $0xFFFF  }
0xc5: {  	[dreg:$0x0] =	wrdreg $0xFFFFFFFF;
	(pc) =	sbr.abs _section_cstart, $3  }
0xc6: {  	[dreg:$0x1] =	wrdreg $0xFFFFFFFF  }
0xc7: {  	_ =	task.clear_ibuf [dreg:s10], $0x2FFFF;
	_ =	strace $0x9FFFFFFF  }
0xc8: {  	(tm) =	ssettm $0x7FFFFFFF  }
0xc9: {  	_ =	shalt  }
tec
execute0_lowered:
.L_overlay_start_1:
0x0: {  	(tag) =	ssettag $0x1  }
0x1: {  	s0 =	rddreg [dreg:$0x0]  }
0x2: {  	s1 =	rddreg [dreg:$0x1]  }
0x3: {  	s2 =	rddreg [dreg:$0x4];
	s4 =	srdreg.scid  }
0x4: {  	s5 =	simm.s32 $0x0;
	s3 =	stileid.u32;
	s10 =	simm.s32 $0x10200  }
0x5: {  	s11 =	simm.s32 $0x10600;
	s12 =	simm.s32 $0x10608;
	s13 =	simm.s32 $0x1  }
0x6: {  	s14 =	simm.s32 $0x80;
	s15 =	simm.s32 $0x200;
	s16 =	simm.s32 $0x4200  }
0x7: {  	s17 =	simm.s32 $0x100;
	s18 =	simm.s32 $0x8200;
	s19 =	simm.s32 $0x180  }
0x8: {  	s20 =	simm.s32 $0xC200;
	s21 =	simm.s32 $0x2;
	s22 =	simm.s32 $0x3  }
0x9: {  	s23 =	simm.s32 $0x4;
	s24 =	simm.s32 $0x10400;
	s25 =	simm.s32 $0x5  }
0xa: {  	s26 =	simm.s32 $0x0;
	s4 =	sand.u32 $0x1, s4;
	s6 =	sshll.u32 s3, $0x7  }
0xb: {  	[smem:$0x7FF] =	sst s5;
	s7 =	sshll.u32 s4, $0x6;
	s4 =	ssub.s32 $0x2, s4  }
0xc: {  	_ =	strace $0x80000047;
	s8 =	sor.u32 s7, s6;
	s31 =	sshrl.u32 s4, $0x1  }
0xd: {  	s0 =	sadd.s32 s8, s0;
	s4 =	ssub.s32 s4, s31;
	s8 =	sadd.s32 s2, s8  }
0xe: {  	v0 =	vimm.s32 $0x0;
	v1 =	vimm.s32 $0x8;
	vm0 =	vcmask $0x3F3C;
	s6 =	sadd.s32 $0xE00, s0;
	s7 =	sadd.s32 $0x600, s0;
	s9 =	smax.u32 s4, $0x1  }
.LBB2_1:
0xf: {  	[tilespmem:s5], [sflag:$0x1] =	stream.linear.gather [hbm4b:s6+s5], $0x200, $0x38;
	[tilespmem:$0x10680] =	vst v63  }
0x10: {  	_ = 	snop  }
0x11: {  	[tilespmem:s10], [sflag:$0x2] =	stream.linear.gather [hbm4b:s7+s5], $0x200, $0x38;
	[tilespmem:$0x10680] =	vst v63  }
0x12: {  	s0 =	rddreg [dreg:$0x2]  }
0x13: {  	[tilespmem:s11], [sflag:$0x3] =	stream.linear.gather [hbm4b:s0+s5], $0x1, $0x38;
	[tilespmem:$0x10680] =	vst v63  }
0x14: {  	s3 =	rddreg [dreg:$0x3]  }
0x15: {  	[tilespmem:s12], [sflag:$0x3] =	stream.linear.gather [hbm4b:s3+s5], $0x1, $0x38;
	[tilespmem:$0x10680] =	vst v63  }
0x16: {  	_ =	swait.ge [sflag:s13], $0x200  }
0x17: {  	[sflag:s13] =	ssyncset.done $0x0  }
0x18: {  	[sflag:s13] =	ssyncadd.s32 $0xFFFFFE00  }
0x19: {  	[tilespmem:s15], [sflag:$0x4] =	stream.indirect.gather [hbm4b:s1+s14], $0x80, s5, s14, $0xb8;
	[tilespmem:$0x10680] =	vst v63  }
0x1a: {  	_ = 	snop  }
0x1b: {  	[tilespmem:s16], [sflag:$0x4] =	stream.indirect.gather [hbm4b:s1+s14], $0x80, s14, s14, $0xb8;
	[tilespmem:$0x10680] =	vst v63  }
0x1c: {  	_ = 	snop  }
0x1d: {  	[tilespmem:s18], [sflag:$0x4] =	stream.indirect.gather [hbm4b:s1+s14], $0x80, s17, s14, $0xb8;
	[tilespmem:$0x10680] =	vst v63  }
0x1e: {  	_ = 	snop  }
0x1f: {  	[tilespmem:s20], [sflag:$0x4] =	stream.indirect.gather [hbm4b:s1+s14], $0x80, s19, s14, $0xb8;
	[tilespmem:$0x10680] =	vst v63  }
0x20: {  	_ =	swait.ge [sflag:s21], $0x200  }
0x21: {  	[sflag:s21] =	ssyncset.done $0x0  }
0x22: {  	[sflag:s21] =	ssyncadd.s32 $0xFFFFFE00  }
0x23: {  	_ =	swait.ge [sflag:s22], $0x1  }
0x24: {  	[sflag:s22] =	ssyncset.done $0x0  }
0x25: {  	[sflag:s22] =	ssyncadd.s32 $0xFFFFFFFF  }
0x26: {  	_ =	swait.ge [sflag:s22], $0x1  }
0x27: {  	[sflag:s22] =	ssyncset.done $0x0  }
0x28: {  	[sflag:s22] =	ssyncadd.s32 $0xFFFFFFFF  }
0x29: {  	v3 =	vld [tilespmem:$0x10600];
	_ =	swait.ge [sflag:s23], $0x4000  }
0x2a: {  	[sflag:s23] =	ssyncset.done $0x0  }
0x2b: {  	[sflag:s23] =	ssyncadd.s32 $0xFFFFC000  }
0x2c: {  	_ =	swait.ge [sflag:s23], $0x4000  }
0x2d: {  	[sflag:s23] =	ssyncset.done $0x0  }
0x2e: {  	[sflag:s23] =	ssyncadd.s32 $0xFFFFC000  }
0x2f: {  	_ =	swait.ge [sflag:s23], $0x4000  }
0x30: {  	[sflag:s23] =	ssyncset.done $0x0  }
0x31: {  	[sflag:s23] =	ssyncadd.s32 $0xFFFFC000  }
0x32: {  	_ =	swait.ge [sflag:s23], $0x4000  }
0x33: {  	[sflag:s23] =	ssyncset.done $0x0  }
0x34: {  	s4 =	simm.s32 $0x240;
	[sflag:s23] =	ssyncadd.s32 $0xFFFFC000  }
0x35: {  	v2 =	vld [tilespmem:s4+$0xFFFFFFC0]  }
0x36: {  	v4 =	vld [tilespmem:s4+$0xFFFFFFD0]  }
0x37: {  	v5 =	vld [tilespmem:s4+$0xFFFFFFE0]  }
0x38: {  	v6 =	vld [tilespmem:s4+$0xFFFFFFF0]  }
0x39: {  	v7 =	vld [tilespmem:s4+$0x0]  }
0x3a: {  	v8 =	vld [tilespmem:s4+$0x10]  }
0x3b: {  	v9 =	vld [tilespmem:s4+$0x20]  }
0x3c: {  	s31 =	simm.s32 $0x2C0;
	v10 =	vld [tilespmem:s4+$0x30]  }
0x3d: {  	v11 =	vld [tilespmem:s31+$0xFFFFFFC0]  }
0x3e: {  	v12 =	vld [tilespmem:s31+$0xFFFFFFD0]  }
0x3f: {  	v13 =	vld [tilespmem:s31+$0xFFFFFFE0]  }
0x40: {  	v14 =	vld [tilespmem:s31+$0xFFFFFFF0];
	v2 =	vadd.f32 v4, v2;
	v4 =	vadd.f32 v6, v5  }
0x41: {  	v15 =	vld [tilespmem:s31+$0x0];
	v5 =	vadd.f32 v8, v7;
	v7 =	vadd.f32 v10, v9  }
0x42: {  	v16 =	vld [tilespmem:s31+$0x10]  }
0x43: {  	v17 =	vld [tilespmem:s31+$0x20];
	v2 =	vadd.f32 v4, v2;
	v4 =	vadd.f32 v7, v5  }
0x44: {  	s2 =	simm.s32 $0x340;
	v9 =	vld [tilespmem:s31+$0x30]  }
0x45: {  	v6 =	vld [tilespmem:s2+$0xFFFFFFC0];
	v18 =	vadd.f32 v4, v2  }
0x46: {  	v8 =	vld [tilespmem:s2+$0xFFFFFFD0]  }
0x47: {  	v10 =	vld [tilespmem:s2+$0xFFFFFFE0];
	(xrf2) =	vadd.scan.msk.f32 $0xffff, v18  }
0x48: {  	v11 =	vadd.f32 v12, v11;
	v12 =	vadd.f32 v14, v13;
	v5 =	vld [tilespmem:s2+$0x0]  }
0x49: {  	v13 =	vadd.f32 v16, v15;
	v7 =	vld [tilespmem:s2+$0x10];
	v14 =	vadd.f32 v9, v17  }
0x4a: {  	v12 =	vadd.f32 v12, v11;
	v11 =	vld [tilespmem:s2+$0x30]  }
0x4b: {  	s29 =	simm.s32 $0x3C0;
	s30 =	simm.s32 $0x3;
	v4 =	vld [tilespmem:s2+$0xFFFFFFF0];
	v13 =	vadd.f32 v14, v13  }
0x4c: {  	s28 =	simm.s32 $0x0;
	s0 =	simm.s32 $0x1;
	s4 =	simm.s32 $0x2;
	v2 =	vperm.xlane v3, v0;
	v3 =	vperm.xlane v3, v1;
	v9 =	vld [tilespmem:s2+$0x20]  }
.LBB2_2:
0x4d: {  	v14 =	vld [tilespmem:s29+$0xFFFFFFC0];
	p0 =	sne.s32 s30, $0x1FF;
	v12 =	vadd.f32 v13, v12;
	v13 =	vmov s28;
	s28 =	smov.u32 s0;
	s0 =	smov.u32 s4  }
0x4e: {  	s4 =	smov.u32 s30;
	v15 =	vld [tilespmem:s29+$0xFFFFFFD0]  }
0x4f: {  	v16 =	vld [tilespmem:s29+$0xFFFFFFE0];
	(xrf2) =	vadd.scan.msk.f32 $0xffff, v12  }
.Ltmp0:
0x50: {  	v18 =	vadd.f32 v8, v6;
	v10 =	vadd.f32 v4, v10;
	v4 =	vld [tilespmem:s29+$0xFFFFFFF0];
	(pc) =	sbr.rel @p0 .LBB2_2-.Ltmp0, $4  }
0x51: {  	s2 =	simm.s32 $0x0;
	v17 =	vadd.f32 v7, v5;
	v5 =	vld [tilespmem:s29+$0x0];
	v11 =	vadd.f32 v11, v9;
	v6, _, _ =	vpop (xrf2)  }
0x52: {  	v7 =	vld [tilespmem:s29+$0x10];
	[tilespmem:v13+s2+$0x0] =	vst.idx.msk vm0, v6;
	v6 =	vmov v14  }
0x53: {  	v12 =	vadd.f32 v10, v18;
	v9 =	vld [tilespmem:s29+$0x20];
	v13 =	vadd.f32 v11, v17;
	v8 =	vmov v15  }
0x54: {  	s30 =	sadd.s32 $0x1, s30;
	v11 =	vld [tilespmem:s29+$0x30];
	s29 =	sadd.s32 $0x80, s29;
	v10 =	vmov v16  }
0x55: {  	_ =	sdelay $0x2  }
0x56: {  	v6 =	vadd.f32 v8, v6;
	v4 =	vadd.f32 v4, v10  }
0x57: {  	v5 =	vadd.f32 v7, v5;
	v7 =	vadd.f32 v11, v9;
	_ =	sdelay $0x1  }
0x58: {  	v4 =	vadd.f32 v4, v6;
	v5 =	vadd.f32 v7, v5  }
0x59: {  	v6 =	vadd.f32 v13, v12  }
0x5a: {  	v4 =	vadd.f32 v5, v4  }
0x5b: {  	(xrf2) =	vadd.scan.msk.f32 $0xffff, v6  }
0x5c: {  	(xrf2) =	vadd.scan.msk.f32 $0xffff, v4;
	_ =	sdelay $0x3  }
0x5d: {  	v4 =	vmov s28  }
0x5e: {  	v5 =	vmov s0  }
0x5f: {  	v6 =	vmov s4;
	_ =	sdelay $0x1  }
0x60: {  	v7, _, _ =	vpop (xrf2)  }
0x61: {  	[tilespmem:v4+s2+$0x0] =	vst.idx.msk vm0, v7;
	v4, _, _ =	vpop (xrf2)  }
0x62: {  	[tilespmem:v5+s2+$0x0] =	vst.idx.msk vm0, v4;
	v4, _, _ =	vpop (xrf2)  }
0x63: {  	s28 =	simm.s32 $0x0;
	[tilespmem:v6+s2+$0x0] =	vst.idx.msk vm0, v4  }
0x64: {  	v4 =	vld [tilespmem:s28+$0x0]  }
0x65: {  	v5 =	vld [tilespmem:s28+$0x10200];
	_ =	sdelay $0x2  }
0x66: {  	s29 =	simm.s32 $0x10  }
0x67: {  	v6 =	vld [tilespmem:s29+$0x0]  }
0x68: {  	v7 =	vld [tilespmem:s29+$0x10200];
	v4 =	vmul.f32 v5, v4;
	_ =	sdelay $0x1  }
0x69: {  	v4 =	vmul.f32 v4, v2;
	_ =	sdelay $0x1  }
0x6a: {  	s30 =	simm.s32 $0x20;
	v4 =	vadd.f32 v4, v3  }
0x6b: {  	v5 =	vmul.f32 v7, v6;
	v6 =	vld [tilespmem:s30+$0x0]  }
0x6c: {  	v7 =	vld [tilespmem:s30+$0x10200];
	v4 =	vsub.f32 $0.0e+00, v4  }
0x6d: {  	s31 =	simm.s32 $0x30;
	v5 =	vmul.f32 v5, v2  }
0x6e: {  	v8 =	vld [tilespmem:s31+$0x0];
	v4 =	vmul.f32 $1.442695020e+00, v4  }
0x6f: {  	v62 =	vld [tilespmem:s31+$0x10200];
	v5 =	vadd.f32 v5, v3  }
0x70: {  	(erf) = vpow2.f32 v4  }
0x71: {  	v5 =	vsub.f32 $0.0e+00, v5;
	v4 =	vmul.f32 v7, v6;
	_ =	sdelay $0x1  }
0x72: {  	s0 =	simm.s32 $0x40;
	v5 =	vmul.f32 $1.442695020e+00, v5;
	v4 =	vmul.f32 v4, v2  }
0x73: {  	v6 =	vmul.f32 v62, v8;
	v7 =	vld [tilespmem:s0+$0x10200]  }
0x74: {  	(erf) = vpow2.f32 v5;
	v5 =	vld [tilespmem:s0+$0x0];
	v4 =	vadd.f32 v4, v3  }
0x75: {  	v6 =	vmul.f32 v6, v2  }
0x76: {  	v4 =	vsub.f32 $0.0e+00, v4  }
0x77: {  	v6 =	vadd.f32 v6, v3  }
0x78: {  	v4 =	vmul.f32 $1.442695020e+00, v4;
	v8 =	vpop (erf)  }
0x79: {  	v5 =	vmul.f32 v7, v5;
	v6 =	vsub.f32 $0.0e+00, v6;
	v7 =	vadd.f32 $1.000000000e+00, v8  }
0x7a: {  	(erf) = vpow2.f32 v4  }
0x7b: {  	s4 =	simm.s32 $0x50;
	v63 =	vmul.f32 $1.442695020e+00, v6;
	(erf) = vrcp.f32 v7  }
0x7c: {  	v4 =	vld [tilespmem:s4+$0x0]  }
0x7d: {  	v8 =	vmul.f32 v5, v2;
	v6 =	vpop (erf);
	v5 =	vld [tilespmem:s4+$0x10200];
	(erf) = vpow2.f32 v63;
	_ =	sdelay $0x1  }
0x7e: {  	v6 =	vadd.f32 $1.000000000e+00, v6  }
0x7f: {  	s2 =	simm.s32 $0x180;
	v7 =	vadd.f32 v8, v3  }
.LBB2_4:
0x80: {  	s3 =	sshra.s32 s2, $0x2;
	(erf) = vrcp.f32 v6;
	p0 =	sne.s32 s2, $0x7C0  }
.Ltmp1:
0x81: {  	v6 =	vmul.f32 v5, v4;
	v4 =	vld [tilespmem:s3+$0x0];
	v11 =	vsub.f32 $0.0e+00, v7;
	(pc) =	sbr.rel @p0 .LBB2_4-.Ltmp1, $4  }
0x82: {  	s2 =	sadd.s32 $0x40, s2;
	v5 =	vld [tilespmem:s3+$0x10200];
	v8 =	vpop (erf)  }
0x83: {  	v9 =	vmul.f32 v6, v2;
	v10 =	vmul.f32 $1.442695020e+00, v11;
	v7 =	vpop (erf)  }
0x84: {  	v6 =	vadd.f32 $1.000000000e+00, v8;
	[tilespmem:s28+$0x10400] =	vst v7;
	s28 =	smov.u32 s29;
	s29 =	smov.u32 s30;
	s30 =	smov.u32 s31  }
0x85: {  	s31 =	smov.u32 s0;
	s0 =	smov.u32 s4;
	s4 =	smov.u32 s3;
	v7 =	vadd.f32 v9, v3;
	(erf) = vpow2.f32 v10  }
0x86: {  	_ = 	snop  }
0x87: {  	v4 =	vmul.f32 v5, v4;
	_ =	sdelay $0x1  }
0x88: {  	v2 =	vmul.f32 v4, v2;
	_ =	sdelay $0x1  }
0x89: {  	v59 =	vsub.f32 $0.0e+00, v7;
	v2 =	vadd.f32 v2, v3;
	_ =	sdelay $0x1  }
0x8a: {  	v4 =	vmul.f32 $1.442695020e+00, v59;
	v3 =	vpop (erf);
	v2 =	vsub.f32 $0.0e+00, v2  }
0x8b: {  	(erf) = vrcp.f32 v6;
	v3 =	vadd.f32 $1.000000000e+00, v3  }
0x8c: {  	(erf) = vpow2.f32 v4;
	v2 =	vmul.f32 $1.442695020e+00, v2  }
0x8d: {  	(erf) = vrcp.f32 v3  }
0x8e: {  	(erf) = vpow2.f32 v2;
	_ =	sdelay $0x3  }
0x8f: {  	v2 =	vpop (erf)  }
0x90: {  	v3 =	vpop (erf)  }
0x91: {  	v60 =	vpop (erf)  }
0x92: {  	v61 =	vpop (erf)  }
0x93: {  	v3 =	vadd.f32 $1.000000000e+00, v3;
	v62 =	vpop (erf)  }
0x94: {  	v5 =	vadd.f32 $1.000000000e+00, v61;
	v63 =	vpop (erf)  }
0x95: {  	(erf) = vrcp.f32 v3;
	v3 =	vadd.f32 $1.000000000e+00, v63  }
0x96: {  	(erf) = vrcp.f32 v5  }
0x97: {  	(erf) = vrcp.f32 v3;
	_ =	sdelay $0x4  }
0x98: {  	[tilespmem:s28+$0x10400] =	vst v2  }
0x99: {  	[tilespmem:s29+$0x10400] =	vst v60  }
0x9a: {  	[tilespmem:s30+$0x10400] =	vst v62;
	v2 =	vpop (erf)  }
0x9b: {  	s26 =	sadd.s32 $0x1, s26;
	[tilespmem:s31+$0x10400] =	vst v2;
	v2 =	vpop (erf)  }
0x9c: {  	p0 =	sne.s32 s26, s9;
	[tilespmem:s0+$0x10400] =	vst v2;
	v2 =	vpop (erf)  }
.Ltmp2:
0x9d: {  	[tilespmem:s4+$0x10400] =	vst v2;
	(pc) =	sbr.rel @p0 .LBB2_1-.Ltmp2, $4  }
0x9e: {  	[hbm4b:s8+s5] =	stream.linear.scatter [tilespmem:s24], [sflag:$0x5], $0x200, $0x38;
	[tilespmem:$0x10680] =	vst v63  }
0x9f: {  	_ =	swait.ge [sflag:s25], $0x200  }
0xa0: {  	[sflag:s25] =	ssyncset.done $0x0  }
0xa1: {  	[sflag:s25] =	ssyncadd.s32 $0xFFFFFE00  }
0xa2: {  	_ =	sfence.sel $0x180000  }
0xa3: {  	[bflag:$0x0] =	sbarrier.arrive $0xFFFF  }
0xa4: {  	_ =	strace $0x90000047  }
0xa5: {  	s0 =	stileid.u32;
	[bflag:$0x2] =	sbarrier.arrive $0xFFFF  }
0xa6: {  	p0 =	sne.s32 s0, $0x0;
	s0 =	rddreg [dreg:$0x5]  }
0xa7: {  	s0 =	sadd.s32 @!p0 $0x100000, s0  }
0xa8: {  	[sflag:s0] =	ssyncadd.tile.s32 @!p0 $0x1;
	_ =	shalt  }
.Lfunc_end2:
_tile_overlayer_lowered:
.L_overlay_start_2:
0xa9: {  	(tag) =	ssettag $0x2  }
0xaa: {  	s0 =	rddreg [dreg:$0x0];
	s2 =	stileid.u32  }
0xab: {  	s1 =	rddreg [dreg:$0x1];
	p0 =	sne.s32 s2, $0x0  }
0xac: {  	s3 =	rddreg [dreg:$0x2];
	[bflag:$0x3] =	sbarrier.arrive $0xFFFF;
	s2 =	simm.s32 @!p0 $0x1C05  }
0xad: {  	[timem:s3], [sflag:s2] =	dma.local @!p0 [hbm:s0], s1  }
0xae: {  	s0 =	simm.s32 @!p0 $0x5  }
0xaf: {  	_ =	swait.ge @!p0 [sflag:s0], s1  }
0xb0: {  	s1 =	ssub.s32 @!p0 $0x0, s1;
	[sflag:s0] =	ssyncset.done @!p0 $0x0  }
0xb1: {  	[sflag:s0] =	ssyncadd.s32 @!p0 s1  }
0xb2: {  	[bflag:$0x3] =	sbarrier.arrive $0xFFFF  }
0xb3: {  	_ =	shalt  }

</sc_bundles>
